<compile_context>
chip_gen: v7x
topology: tpu7x:2x2x1
jax: 0.10.2.dev20260603
libtpu: 0.0.44.dev20260713+nightly
codegen_flags: <defaults>
</compile_context>

<pallas_src>
import functools

import jax
import jax.numpy as jnp
from jax import lax
from jax.experimental import pallas as pl
from jax.experimental.pallas import tpu as pltpu
from jax.experimental.pallas import tpu_sc as plsc

_CHUNK = 128


@functools.lru_cache(maxsize=None)
def _make_sc_gather(n_chunks, v4):
    info = plsc.get_sparse_core_info()
    nc, ns = info.num_cores, info.num_subcores
    nw = nc * ns
    per_w = n_chunks // nw

    mesh = plsc.VectorSubcoreMesh(core_axis_name="c", subcore_axis_name="s")

    @functools.partial(
        pl.kernel,
        mesh=mesh,
        out_type=jax.ShapeDtypeStruct((n_chunks, _CHUNK, 128), jnp.float32),
        scratch_types=[
            pltpu.VMEM((per_w, _CHUNK), jnp.int32),
            pltpu.VMEM((per_w, _CHUNK, 128), jnp.float32),
            pltpu.SemaphoreType.DMA,
        ],
    )
    def gather_kernel(tok_hbm, idx_hbm, out_hbm, idx_v, rows_v, sem):
        wid = lax.axis_index("s") * nc + lax.axis_index("c")
        base = wid * per_w
        pltpu.sync_copy(idx_hbm.at[wid], idx_v)
        copies = [
            pltpu.async_copy(tok_hbm.at[idx_v.at[k]], rows_v.at[k], sem)
            for k in range(per_w)
        ]
        for c in copies:
            c.wait()
        pltpu.sync_copy(rows_v, out_hbm.at[pl.ds(base, per_w)])

    return gather_kernel


def _matmul_body(x4_ref, sub_ref, waug_ref, pos_ref, o_ref, *, bb, d, vt):
    x4 = x4_ref[0]
    sub = sub_ref[0, :, 0:d]
    x = jnp.where(sub == 0.0, x4[:, 0:d], 0.0)
    for s in range(1, 4):
        x = x + jnp.where(sub == float(s), x4[:, s * d:(s + 1) * d], 0.0)
    x = x + pos_ref[0]
    xaug = jnp.concatenate(
        [x, jnp.ones((bb, 1), jnp.float32)], axis=1).astype(jnp.bfloat16)
    w = waug_ref[:].astype(jnp.bfloat16)
    o_ref[0] = lax.dot_general(
        w, xaug, (((0,), (1,)), ((), ())),
        preferred_element_type=jnp.float32)


def _lm_head(x4, subf, Waug, pos_table, *, vt):
    t, bb, _ = x4.shape
    d = pos_table.shape[2]
    v = Waug.shape[1]
    grid = (t, pl.cdiv(v, vt))
    return pl.pallas_call(
        functools.partial(_matmul_body, bb=bb, d=d, vt=vt),
        grid=grid,
        in_specs=[
            pl.BlockSpec((1, bb, 128), lambda i, j: (i, 0, 0)),
            pl.BlockSpec((1, bb, 128), lambda i, j: (i, 0, 0)),
            pl.BlockSpec((d + 1, vt), lambda i, j: (0, j)),
            pl.BlockSpec((1, 1, d), lambda i, j: (i, 0, 0)),
        ],
        out_specs=pl.BlockSpec((1, vt, bb), lambda i, j: (i, j, 0)),
        out_shape=jax.ShapeDtypeStruct((t, v, bb), jnp.float32),
        compiler_params=pltpu.CompilerParams(
            dimension_semantics=("parallel", "parallel"),
        ),
    )(x4, subf, Waug, pos_table)


def kernel(idx, tok_table, pos_table, W, b):
    B, T = idx.shape
    V, D = tok_table.shape
    bf = B * T
    n_chunks = bf // _CHUNK
    nw = 32
    idxT = idx.T.astype(jnp.int32)
    idxPf = idxT.reshape(bf)
    tok2 = tok_table.reshape(V // 4, 128)
    idx4 = (idxPf // 4).reshape(nw, n_chunks // nw, _CHUNK)
    subf = jnp.broadcast_to(
        (idxT % 4).astype(jnp.float32)[:, :, None], (T, B, 128))
    x4 = _make_sc_gather(n_chunks, V // 4)(tok2, idx4)
    x4 = x4.reshape(T, B, 128)
    Waug = jnp.concatenate([W, b[None, :]], axis=0)
    pos3 = pos_table.reshape(T, 1, D)
    outT = _lm_head(x4, subf, Waug, pos3, vt=2048)
    return jnp.transpose(outT, (2, 0, 1))

# --- scband reference (transcript-rebuilt; emitter-appended) ---
"""Pipeline reference for scband-bigram-language-model-17282948399734 (READ-ONLY COPY).

The authoritative reference and input builder live on the scoring server;
editing this copy changes nothing except your own understanding.
"""

import jax, jax.numpy as jnp
import numpy as np

VOCAB = 100000
N_EMBD = 32
BLOCK = 8
B = 1024


def setup_inputs(seed: int = 0) -> dict:
    key = jax.random.key(seed)
    k1, k2, k3, k4 = jax.random.split(key, 4)
    idx = jax.random.randint(k1, (B, BLOCK), 0, VOCAB, dtype=jnp.int64 if jax.config.jax_enable_x64 else jnp.int32)
    tok_table = jax.random.normal(k2, (VOCAB, N_EMBD), dtype=jnp.float32) * 0.02
    pos_table = jax.random.normal(k3, (BLOCK, N_EMBD), dtype=jnp.float32) * 0.02
    W = jax.random.normal(k4, (N_EMBD, VOCAB), dtype=jnp.float32) * 0.02
    b = jnp.zeros((VOCAB,), dtype=jnp.float32)
    return {"idx": idx, "tok_table": tok_table, "pos_table": pos_table, "W": W, "b": b}


def reference(idx, tok_table, pos_table, W, b):
    # tok_emb = token_embedding_table(idx)  -> gather rows
    T = idx.shape[1]
    tok_emb = jnp.take(tok_table, idx, axis=0)          # [B, T, n_embd]
    # pos_emb = position_embedding_table(arange(T))
    pos_emb = jnp.take(pos_table, jnp.arange(T), axis=0)  # [T, n_embd]
    x = tok_emb + pos_emb[None, :, :]                    # [B, T, n_embd]
    # logits = lm_head(x)
    logits = jnp.einsum('btd,dv->btv', x, W) + b         # [B, T, vocab]
    # targets=None -> loss is None; return logits (the tensor output)
    return logits

if __name__ == "__main__":
    import jax
    _d = setup_inputs()
    print(jax.jit(kernel)(*tuple(_d.values())))

</pallas_src>

<mosaic_0001>
#map = affine_map<(d0, d1) -> (0, 0)>
#map1 = affine_map<(d0, d1) -> (0, 0, 0)>
module attributes {stable_mosaic.version = 14 : i64} {
  func.func @gather_kernel(%arg0: i32, %arg1: i32, %arg2: memref<25000x128xf32, #tpu.memory_space<hbm>>, %arg3: memref<32x2x128xi32, #tpu.memory_space<hbm>>, %arg4: memref<64x128x128xf32, #tpu.memory_space<hbm>>, %arg5: memref<2x128xi32, #tpu.memory_space<vmem>>, %arg6: memref<2x128x128xf32, #tpu.memory_space<vmem>>, %arg7: memref<!tpu.dma_semaphore, #tpu.memory_space<semaphore_mem>>) attributes {dimension_semantics = [#tpu.dimension_semantics<core_parallel>, #tpu.dimension_semantics<subcore_parallel>], iteration_bounds = array<i64: 2, 16>, scalar_prefetch = 0 : i64, scratch_operands = 3 : i64, tpu.core_type = #tpu.core_type<sc_vector_subcore>, window_params = [{transform_indices = #map}, {transform_indices = #map1}, {transform_indices = #map1}]} {
    %mul3A = arith.constant 2 : i32
    %mul3A_0 = arith.muli %arg1, %mul3A : i32
    %add3A = arith.addi %mul3A_0, %arg0 : i32
    %mul3A_1 = arith.constant 2 : i32
    %mul3A_2 = arith.muli %add3A, %mul3A_1 : i32
    "tpu.region"() ({
      %run_scoped3A = tpu.sem_alloc : memref<!tpu.dma_semaphore, #tpu.memory_space<semaphore_mem>>
      %dma_start3A_49 = arith.constant 0 : i32
      %dma_start3A_50 = arith.constant 0 : i32
      %dma_start3A_51 = tpu.memref_slice %arg3[%add3A, %dma_start3A_49, %dma_start3A_50] : memref<32x2x128xi32, #tpu.memory_space<hbm>> -> memref<1x2x128xi32, #tpu.memory_space<hbm>>
      %dma_start3A_52 = tpu.memref_squeeze %dma_start3A_51 : memref<1x2x128xi32, #tpu.memory_space<hbm>> -> memref<2x128xi32, #tpu.memory_space<hbm>>
      %dma_start3A_53 = arith.constant 0 : i32
      %dma_start3A_54 = arith.constant 0 : i32
      %dma_start3A_55 = tpu.memref_slice %arg3[%add3A, %dma_start3A_53, %dma_start3A_54] : memref<32x2x128xi32, #tpu.memory_space<hbm>> -> memref<1x2x128xi32, #tpu.memory_space<hbm>>
      %dma_start3A_56 = tpu.memref_squeeze %dma_start3A_55 : memref<1x2x128xi32, #tpu.memory_space<hbm>> -> memref<2x128xi32, #tpu.memory_space<hbm>>
      tpu.enqueue_dma source(%dma_start3A_56 : memref<2x128xi32, #tpu.memory_space<hbm>>) target(%arg5 : memref<2x128xi32, #tpu.memory_space<vmem>>) target_semaphore(%run_scoped3A : memref<!tpu.dma_semaphore, #tpu.memory_space<semaphore_mem>>)
      %dma_wait3A_57 = arith.constant 0 : i32
      %dma_wait3A_58 = arith.constant 0 : i32
      %dma_wait3A_59 = tpu.memref_slice %arg3[%add3A, %dma_wait3A_57, %dma_wait3A_58] : memref<32x2x128xi32, #tpu.memory_space<hbm>> -> memref<1x2x128xi32, #tpu.memory_space<hbm>>
      %dma_wait3A_60 = tpu.memref_squeeze %dma_wait3A_59 : memref<1x2x128xi32, #tpu.memory_space<hbm>> -> memref<2x128xi32, #tpu.memory_space<hbm>>
      %dma_wait3A_61 = arith.constant 0 : i32
      %dma_wait3A_62 = arith.constant 0 : i32
      %dma_wait3A_63 = tpu.memref_slice %arg3[%add3A, %dma_wait3A_61, %dma_wait3A_62] : memref<32x2x128xi32, #tpu.memory_space<hbm>> -> memref<1x2x128xi32, #tpu.memory_space<hbm>>
      %dma_wait3A_64 = tpu.memref_squeeze %dma_wait3A_63 : memref<1x2x128xi32, #tpu.memory_space<hbm>> -> memref<2x128xi32, #tpu.memory_space<hbm>>
      tpu.wait_dma2 semaphore(%run_scoped3A : memref<!tpu.dma_semaphore, #tpu.memory_space<semaphore_mem>>) src(%dma_wait3A_64 : memref<2x128xi32, #tpu.memory_space<hbm>>) dst(%arg5 : memref<2x128xi32, #tpu.memory_space<vmem>>)
      tpu.yield
    }) : () -> ()
    %dma_start3A = arith.constant 0 : i32
    %dma_start3A_3 = arith.constant 0 : i32
    %dma_start3A_4 = arith.constant 0 : i32
    %dma_start3A_5 = arith.constant 0 : i32
    %dma_start3A_6 = tpu.memref_slice %arg6[%dma_start3A_3, %dma_start3A_4, %dma_start3A_5] : memref<2x128x128xf32, #tpu.memory_space<vmem>> -> memref<1x128x128xf32, #tpu.memory_space<vmem>>
    %dma_start3A_7 = tpu.memref_squeeze %dma_start3A_6 : memref<1x128x128xf32, #tpu.memory_space<vmem>> -> memref<128x128xf32, #tpu.memory_space<vmem>>
    %dma_start3A_8 = arith.constant 0 : i32
    %dma_start3A_9 = tpu.memref_slice %arg5[%dma_start3A, %dma_start3A_8] : memref<2x128xi32, #tpu.memory_space<vmem>> -> memref<1x128xi32, #tpu.memory_space<vmem>>
    %dma_start3A_10 = tpu.memref_squeeze %dma_start3A_9 : memref<1x128xi32, #tpu.memory_space<vmem>> -> memref<128xi32, #tpu.memory_space<vmem>>
    %dma_start3A_11 = arith.constant 0 : i32
    %dma_start3A_12 = arith.constant 0 : i32
    %dma_start3A_13 = tpu.memref_slice %arg2[%dma_start3A_11, %dma_start3A_12] : memref<25000x128xf32, #tpu.memory_space<hbm>> -> memref<25000x128xf32, #tpu.memory_space<hbm>>
    tpu.enqueue_indirect_dma source(%dma_start3A_13 : memref<25000x128xf32, #tpu.memory_space<hbm>>) target(%dma_start3A_7 : memref<128x128xf32, #tpu.memory_space<vmem>>) offsets(%dma_start3A_10 : memref<128xi32, #tpu.memory_space<vmem>>) semaphore(%arg7 : memref<!tpu.dma_semaphore, #tpu.memory_space<semaphore_mem>>)
    %dma_start3A_14 = arith.constant 1 : i32
    %dma_start3A_15 = arith.constant 1 : i32
    %dma_start3A_16 = arith.constant 0 : i32
    %dma_start3A_17 = arith.constant 0 : i32
    %dma_start3A_18 = tpu.memref_slice %arg6[%dma_start3A_15, %dma_start3A_16, %dma_start3A_17] : memref<2x128x128xf32, #tpu.memory_space<vmem>> -> memref<1x128x128xf32, #tpu.memory_space<vmem>>
    %dma_start3A_19 = tpu.memref_squeeze %dma_start3A_18 : memref<1x128x128xf32, #tpu.memory_space<vmem>> -> memref<128x128xf32, #tpu.memory_space<vmem>>
    %dma_start3A_20 = arith.constant 0 : i32
    %dma_start3A_21 = tpu.memref_slice %arg5[%dma_start3A_14, %dma_start3A_20] : memref<2x128xi32, #tpu.memory_space<vmem>> -> memref<1x128xi32, #tpu.memory_space<vmem>>
    %dma_start3A_22 = tpu.memref_squeeze %dma_start3A_21 : memref<1x128xi32, #tpu.memory_space<vmem>> -> memref<128xi32, #tpu.memory_space<vmem>>
    %dma_start3A_23 = arith.constant 0 : i32
    %dma_start3A_24 = arith.constant 0 : i32
    %dma_start3A_25 = tpu.memref_slice %arg2[%dma_start3A_23, %dma_start3A_24] : memref<25000x128xf32, #tpu.memory_space<hbm>> -> memref<25000x128xf32, #tpu.memory_space<hbm>>
    tpu.enqueue_indirect_dma source(%dma_start3A_25 : memref<25000x128xf32, #tpu.memory_space<hbm>>) target(%dma_start3A_19 : memref<128x128xf32, #tpu.memory_space<vmem>>) offsets(%dma_start3A_22 : memref<128xi32, #tpu.memory_space<vmem>>) semaphore(%arg7 : memref<!tpu.dma_semaphore, #tpu.memory_space<semaphore_mem>>)
    %dma_wait3A = arith.constant 0 : i32
    %dma_wait3A_26 = arith.constant 0 : i32
    %dma_wait3A_27 = arith.constant 0 : i32
    %dma_wait3A_28 = arith.constant 0 : i32
    %dma_wait3A_29 = tpu.memref_slice %arg6[%dma_wait3A_26, %dma_wait3A_27, %dma_wait3A_28] : memref<2x128x128xf32, #tpu.memory_space<vmem>> -> memref<1x128x128xf32, #tpu.memory_space<vmem>>
    %dma_wait3A_30 = tpu.memref_squeeze %dma_wait3A_29 : memref<1x128x128xf32, #tpu.memory_space<vmem>> -> memref<128x128xf32, #tpu.memory_space<vmem>>
    %dma_wait3A_31 = arith.constant 0 : i32
    %dma_wait3A_32 = tpu.memref_slice %arg5[%dma_wait3A, %dma_wait3A_31] : memref<2x128xi32, #tpu.memory_space<vmem>> -> memref<1x128xi32, #tpu.memory_space<vmem>>
    %dma_wait3A_33 = tpu.memref_squeeze %dma_wait3A_32 : memref<1x128xi32, #tpu.memory_space<vmem>> -> memref<128xi32, #tpu.memory_space<vmem>>
    %dma_wait3A_34 = arith.constant 0 : i32
    %dma_wait3A_35 = arith.constant 0 : i32
    %dma_wait3A_36 = tpu.memref_slice %arg2[%dma_wait3A_34, %dma_wait3A_35] : memref<25000x128xf32, #tpu.memory_space<hbm>> -> memref<25000x128xf32, #tpu.memory_space<hbm>>
    tpu.wait_indirect_dma semaphore(%arg7 : memref<!tpu.dma_semaphore, #tpu.memory_space<semaphore_mem>>) src(%dma_wait3A_36 : memref<25000x128xf32, #tpu.memory_space<hbm>>) dst(%dma_wait3A_30 : memref<128x128xf32, #tpu.memory_space<vmem>>)
    %dma_wait3A_37 = arith.constant 1 : i32
    %dma_wait3A_38 = arith.constant 1 : i32
    %dma_wait3A_39 = arith.constant 0 : i32
    %dma_wait3A_40 = arith.constant 0 : i32
    %dma_wait3A_41 = tpu.memref_slice %arg6[%dma_wait3A_38, %dma_wait3A_39, %dma_wait3A_40] : memref<2x128x128xf32, #tpu.memory_space<vmem>> -> memref<1x128x128xf32, #tpu.memory_space<vmem>>
    %dma_wait3A_42 = tpu.memref_squeeze %dma_wait3A_41 : memref<1x128x128xf32, #tpu.memory_space<vmem>> -> memref<128x128xf32, #tpu.memory_space<vmem>>
    %dma_wait3A_43 = arith.constant 0 : i32
    %dma_wait3A_44 = tpu.memref_slice %arg5[%dma_wait3A_37, %dma_wait3A_43] : memref<2x128xi32, #tpu.memory_space<vmem>> -> memref<1x128xi32, #tpu.memory_space<vmem>>
    %dma_wait3A_45 = tpu.memref_squeeze %dma_wait3A_44 : memref<1x128xi32, #tpu.memory_space<vmem>> -> memref<128xi32, #tpu.memory_space<vmem>>
    %dma_wait3A_46 = arith.constant 0 : i32
    %dma_wait3A_47 = arith.constant 0 : i32
    %dma_wait3A_48 = tpu.memref_slice %arg2[%dma_wait3A_46, %dma_wait3A_47] : memref<25000x128xf32, #tpu.memory_space<hbm>> -> memref<25000x128xf32, #tpu.memory_space<hbm>>
    tpu.wait_indirect_dma semaphore(%arg7 : memref<!tpu.dma_semaphore, #tpu.memory_space<semaphore_mem>>) src(%dma_wait3A_48 : memref<25000x128xf32, #tpu.memory_space<hbm>>) dst(%dma_wait3A_42 : memref<128x128xf32, #tpu.memory_space<vmem>>)
    "tpu.region"() ({
      %run_scoped3A = tpu.sem_alloc : memref<!tpu.dma_semaphore, #tpu.memory_space<semaphore_mem>>
      %dma_start3A_49 = arith.constant 0 : i32
      %dma_start3A_50 = arith.constant 0 : i32
      %dma_start3A_51 = tpu.memref_slice %arg4[%mul3A_2, %dma_start3A_49, %dma_start3A_50] : memref<64x128x128xf32, #tpu.memory_space<hbm>> -> memref<2x128x128xf32, #tpu.memory_space<hbm>>
      %dma_start3A_52 = arith.constant 0 : i32
      %dma_start3A_53 = arith.constant 0 : i32
      %dma_start3A_54 = tpu.memref_slice %arg4[%mul3A_2, %dma_start3A_52, %dma_start3A_53] : memref<64x128x128xf32, #tpu.memory_space<hbm>> -> memref<2x128x128xf32, #tpu.memory_space<hbm>>
      tpu.enqueue_dma source(%arg6 : memref<2x128x128xf32, #tpu.memory_space<vmem>>) target(%dma_start3A_54 : memref<2x128x128xf32, #tpu.memory_space<hbm>>) target_semaphore(%run_scoped3A : memref<!tpu.dma_semaphore, #tpu.memory_space<semaphore_mem>>)
      %dma_wait3A_55 = arith.constant 0 : i32
      %dma_wait3A_56 = arith.constant 0 : i32
      %dma_wait3A_57 = tpu.memref_slice %arg4[%mul3A_2, %dma_wait3A_55, %dma_wait3A_56] : memref<64x128x128xf32, #tpu.memory_space<hbm>> -> memref<2x128x128xf32, #tpu.memory_space<hbm>>
      %dma_wait3A_58 = arith.constant 0 : i32
      %dma_wait3A_59 = arith.constant 0 : i32
      %dma_wait3A_60 = tpu.memref_slice %arg4[%mul3A_2, %dma_wait3A_58, %dma_wait3A_59] : memref<64x128x128xf32, #tpu.memory_space<hbm>> -> memref<2x128x128xf32, #tpu.memory_space<hbm>>
      tpu.wait_dma2 semaphore(%run_scoped3A : memref<!tpu.dma_semaphore, #tpu.memory_space<semaphore_mem>>) src(%arg6 : memref<2x128x128xf32, #tpu.memory_space<vmem>>) dst(%dma_wait3A_60 : memref<2x128x128xf32, #tpu.memory_space<hbm>>)
      tpu.yield
    }) : () -> ()
    return
  }
}

module attributes {stable_mosaic.version = 14 : i64} {
  func.func @_matmul_body(%arg0: i32, %arg1: i32, %arg2: memref<1x1024x128xf32, #tpu.memory_space<vmem>>, %arg3: memref<1x1024x128xf32, #tpu.memory_space<vmem>>, %arg4: memref<33x2048xf32, #tpu.memory_space<vmem>>, %arg5: memref<1x1x32xf32, #tpu.memory_space<vmem>>, %arg6: memref<1x2048x1024xf32, #tpu.memory_space<vmem>>) attributes {dimension_semantics = [#tpu.dimension_semantics<parallel>, #tpu.dimension_semantics<parallel>], iteration_bounds = array<i64: 8, 49>, scalar_prefetch = 0 : i64, scratch_operands = 0 : i64, tpu.core_type = #tpu.core_type<tc>, window_params = [{transform_indices = @transform_0, window_bounds = array<i64: 1, 1024, 128>}, {transform_indices = @transform_1, window_bounds = array<i64: 1, 1024, 128>}, {transform_indices = @transform_2, window_bounds = array<i64: 33, 2048>}, {transform_indices = @transform_3, window_bounds = array<i64: 1, 1, 32>}, {transform_indices = @transform_4, window_bounds = array<i64: 1, 2048, 1024>}]} {
    %get3A = arith.constant 0 : index
    %get3A_0 = arith.constant 0 : index
    %get3A_1 = arith.constant 0 : index
    %get3A_2 = vector.load %arg2[%get3A, %get3A_0, %get3A_1] : memref<1x1024x128xf32, #tpu.memory_space<vmem>>, vector<1x1024x128xf32>
    %get3A_3 = vector.shape_cast %get3A_2 : vector<1x1024x128xf32> to vector<1024x128xf32>
    %get3A_4 = arith.constant 0 : index
    %get3A_5 = arith.constant 0 : index
    %get3A_6 = arith.constant 0 : index
    %get3A_7 = vector.load %arg3[%get3A_4, %get3A_5, %get3A_6] : memref<1x1024x128xf32, #tpu.memory_space<vmem>>, vector<1x1024x32xf32>
    %get3A_8 = vector.shape_cast %get3A_7 : vector<1x1024x32xf32> to vector<1024x32xf32>
    %eq3A = arith.constant 0.000000e+00 : f32
    %eq3A_9 = vector.broadcast %eq3A : f32 to vector<1024x32xf32>
    %eq3A_10 = arith.cmpf oeq, %get3A_8, %eq3A_9 : vector<1024x32xf32>
    %slice3A = vector.extract_strided_slice %get3A_3 {offsets = [0, 0], sizes = [1024, 32], strides = [1, 1]} : vector<1024x128xf32> to vector<1024x32xf32>
    %jit3A = arith.constant 0.000000e+00 : f32
    %broadcast_in_dim3A = vector.broadcast %jit3A : f32 to vector<1024x32xf32>
    %select_n3A = arith.select %eq3A_10, %slice3A, %broadcast_in_dim3A : vector<1024x32xi1>, vector<1024x32xf32>
    %eq3A_11 = arith.constant 1.000000e+00 : f32
    %eq3A_12 = vector.broadcast %eq3A_11 : f32 to vector<1024x32xf32>
    %eq3A_13 = arith.cmpf oeq, %get3A_8, %eq3A_12 : vector<1024x32xf32>
    %slice3A_14 = vector.extract_strided_slice %get3A_3 {offsets = [0, 32], sizes = [1024, 32], strides = [1, 1]} : vector<1024x128xf32> to vector<1024x32xf32>
    %jit3A_15 = arith.constant 0.000000e+00 : f32
    %broadcast_in_dim3A_16 = vector.broadcast %jit3A_15 : f32 to vector<1024x32xf32>
    %select_n3A_17 = arith.select %eq3A_13, %slice3A_14, %broadcast_in_dim3A_16 : vector<1024x32xi1>, vector<1024x32xf32>
    %add3A = arith.addf %select_n3A, %select_n3A_17 : vector<1024x32xf32>
    %eq3A_18 = arith.constant 2.000000e+00 : f32
    %eq3A_19 = vector.broadcast %eq3A_18 : f32 to vector<1024x32xf32>
    %eq3A_20 = arith.cmpf oeq, %get3A_8, %eq3A_19 : vector<1024x32xf32>
    %slice3A_21 = vector.extract_strided_slice %get3A_3 {offsets = [0, 64], sizes = [1024, 32], strides = [1, 1]} : vector<1024x128xf32> to vector<1024x32xf32>
    %jit3A_22 = arith.constant 0.000000e+00 : f32
    %broadcast_in_dim3A_23 = vector.broadcast %jit3A_22 : f32 to vector<1024x32xf32>
    %select_n3A_24 = arith.select %eq3A_20, %slice3A_21, %broadcast_in_dim3A_23 : vector<1024x32xi1>, vector<1024x32xf32>
    %add3A_25 = arith.addf %add3A, %select_n3A_24 : vector<1024x32xf32>
    %eq3A_26 = arith.constant 3.000000e+00 : f32
    %eq3A_27 = vector.broadcast %eq3A_26 : f32 to vector<1024x32xf32>
    %eq3A_28 = arith.cmpf oeq, %get3A_8, %eq3A_27 : vector<1024x32xf32>
    %slice3A_29 = vector.extract_strided_slice %get3A_3 {offsets = [0, 96], sizes = [1024, 32], strides = [1, 1]} : vector<1024x128xf32> to vector<1024x32xf32>
    %jit3A_30 = arith.constant 0.000000e+00 : f32
    %broadcast_in_dim3A_31 = vector.broadcast %jit3A_30 : f32 to vector<1024x32xf32>
    %select_n3A_32 = arith.select %eq3A_28, %slice3A_29, %broadcast_in_dim3A_31 : vector<1024x32xi1>, vector<1024x32xf32>
    %add3A_33 = arith.addf %add3A_25, %select_n3A_32 : vector<1024x32xf32>
    %get3A_34 = arith.constant 0 : index
    %get3A_35 = arith.constant 0 : index
    %get3A_36 = arith.constant 0 : index
    %get3A_37 = vector.load %arg5[%get3A_34, %get3A_35, %get3A_36] : memref<1x1x32xf32, #tpu.memory_space<vmem>>, vector<1x1x32xf32>
    %get3A_38 = vector.shape_cast %get3A_37 : vector<1x1x32xf32> to vector<1x32xf32>
    %add3A_39 = vector.broadcast %get3A_38 : vector<1x32xf32> to vector<1024x32xf32>
    %add3A_40 = arith.addf %add3A_33, %add3A_39 : vector<1024x32xf32>
    %broadcast_in_dim3A_41 = arith.constant 1.000000e+00 : f32
    %broadcast_in_dim3A_42 = vector.broadcast %broadcast_in_dim3A_41 : f32 to vector<1024x1xf32>
    %concatenate3A = tpu.concatenate %add3A_40, %broadcast_in_dim3A_42 in 1 : vector<1024x32xf32>, vector<1024x1xf32> -> vector<1024x33xf32>
    %convert_element_type3A = arith.truncf %concatenate3A : vector<1024x33xf32> to vector<1024x33xbf16>
    %get3A_43 = arith.constant 0 : index
    %get3A_44 = arith.constant 0 : index
    %get3A_45 = vector.load %arg4[%get3A_43, %get3A_44] : memref<33x2048xf32, #tpu.memory_space<vmem>>, vector<33x2048xf32>
    %convert_element_type3A_46 = arith.truncf %get3A_45 : vector<33x2048xf32> to vector<33x2048xbf16>
    %dot_general3A = arith.constant dense<0.000000e+00> : vector<2048x1024xf32>
    %dot_general3A_47 = tpu.matmul %convert_element_type3A_46, %convert_element_type3A, %dot_general3A {dimension_numbers = #tpu.dot_dimension_numbers<[0], [1], [1], [0], [0, 1, 1, 0], [], []>, transpose_lhs_hint = false} : vector<33x2048xbf16>, vector<1024x33xbf16>, vector<2048x1024xf32> -> vector<2048x1024xf32>
    %swap3A = arith.constant 0 : index
    %swap3A_48 = arith.constant 0 : index
    %swap3A_49 = arith.constant 0 : index
    %swap3A_50 = vector.load %arg6[%swap3A, %swap3A_48, %swap3A_49] : memref<1x2048x1024xf32, #tpu.memory_space<vmem>>, vector<1x2048x1024xf32>
    %swap3A_51 = vector.shape_cast %swap3A_50 : vector<1x2048x1024xf32> to vector<2048x1024xf32>
    %swap3A_52 = vector.shape_cast %dot_general3A_47 : vector<2048x1024xf32> to vector<1x2048x1024xf32>
    tpu.vector_store %arg6[%swap3A, %swap3A_48, %swap3A_49], %swap3A_52 {strides = array<i32>} : memref<1x2048x1024xf32, #tpu.memory_space<vmem>>, vector<1x2048x1024xf32>,
    return
  }
  func.func @transform_0(%arg0: i32, %arg1: i32) -> (i32, i32, i32) {
    %c0_i32 = arith.constant 0 : i32
    %c0_i32_0 = arith.constant 0 : i32
    %c0_i32_1 = arith.constant 0 : i32
    return %arg0, %c0_i32, %c0_i32_0 : i32, i32, i32
  }
  func.func @transform_1(%arg0: i32, %arg1: i32) -> (i32, i32, i32) {
    %c0_i32 = arith.constant 0 : i32
    %c0_i32_0 = arith.constant 0 : i32
    %c0_i32_1 = arith.constant 0 : i32
    return %arg0, %c0_i32, %c0_i32_0 : i32, i32, i32
  }
  func.func @transform_2(%arg0: i32, %arg1: i32) -> (i32, i32) {
    %c0_i32 = arith.constant 0 : i32
    %c0_i32_0 = arith.constant 0 : i32
    return %c0_i32, %arg1 : i32, i32
  }
  func.func @transform_3(%arg0: i32, %arg1: i32) -> (i32, i32, i32) {
    %c0_i32 = arith.constant 0 : i32
    %c0_i32_0 = arith.constant 0 : i32
    %c0_i32_1 = arith.constant 0 : i32
    return %arg0, %c0_i32, %c0_i32_0 : i32, i32, i32
  }
  func.func @transform_4(%arg0: i32, %arg1: i32) -> (i32, i32, i32) {
    %c0_i32 = arith.constant 0 : i32
    %c0_i32_0 = arith.constant 0 : i32
    return %arg0, %arg1, %c0_i32 : i32, i32, i32
  }
}

</mosaic_0001>

<sc_bundles>
// kernel: kernel.4.cloned.1.call-start
scs
__scs_entry_jumppad:
0x0: {  	(pc) =	sbr.rel $0x88, $3  }
0x1: {  	(tag) =	ssettag $0x0;
	lr =	simm.s32 $0x1  }
0x2: {  	[smem:$0x3F9C] =	sst lr;
	_ =	strace $0xD0000000  }
0x3: {  	_ = 	snop  }
0x4: {  	_ = 	snop  }
0x5: {  	_ = 	snop  }
0x6: {  	_ = 	snop  }
0x7: {  	_ = 	snop  }
__scs_overlays_trampoline_lowered:
0x8: {  	[smem:$0x3FAB] =	sst s0  }
0x9: {  	[smem:$0x3FAC] =	sst s1  }
0xa: {  	[smem:$0x3FAD] =	sst s2  }
0xb: {  	[smem:$0x3FAE] =	sst s3  }
0xc: {  	[smem:$0x3FAF] =	sst s4  }
0xd: {  	[smem:$0x3FB0] =	sst s5  }
0xe: {  	[smem:$0x3FB1] =	sst s6  }
0xf: {  	[smem:$0x3FB2] =	sst s7  }
0x10: {  	[smem:$0x3FB3] =	sst s8  }
0x11: {  	[smem:$0x3FB4] =	sst s9;
	s0 =	simm.s32 @!p0 $0x0  }
0x12: {  	s1 =	sld [smem:$0x3F9A];
	s0 =	simm.s32 @p0 $0x1  }
0x13: {  	[smem:$0x3FB5] =	sst s0;
	s0 =	simm.s32 @!p1 $0x0  }
0x14: {  	s2 =	sld [smem:$0x3F99];
	s0 =	simm.s32 @p1 $0x1  }
0x15: {  	[smem:$0x3FB6] =	sst s0;
	s0 =	simm.s32 @!p2 $0x0  }
0x16: {  	s3 =	sld [smem:$0x3FDB];
	s0 =	simm.s32 @p2 $0x1  }
0x17: {  	s4 =	simm.s32 $0x1BF5;
	[smem:$0x3FB8] =	sst s0  }
0x18: {  	s0 =	sld [smem:$0x3F9B];
	_ =	swait.ge [sflag:s4], $0x0  }
0x19: {  	s7 =	sld [smem:$0x3F9C]  }
0x1a: {  	s8 =	sadd.s32 $0xFFFFE003, lr  }
0x1b: {  	s9 =	sadd.s32 $0xFFFFFEF7, lr;
	s5 =	simm.s32 $0xFFFFFFFF;
	p2 =	slt.u32 s8, $0xFFFFF086  }
0x1c: {  	p1 =	slt.u32 s9, $0xF7A;
	s5 =	simm.s32 @!p2 $0x0  }
0x1d: {  	s5 =	simm.s32 @p1 $0x1;
	p0 =	seq.s32 s7, s2  }
0x1e: {  	s7 =	smul.u32 @!p0 $0xF7A, s2;
	p2 =	seq.s32 @!p0 s5, $0x0  }
0x1f: {  	s9 =	smul.u32 $0xF7A, s1;
	s8 =	simm.s32 @!p0 $0x1BF5;
	p2 =	por !p2, p0  }
0x20: {  	[sflag:s8] =	ssyncset.s32 @!p0 $0xFFFFF086;
	s6 =	sadd.s32 @!p0 s3, s7;
	s7 =	simm.s32 @!p0 $0x108  }
0x21: {  	s3 =	sadd.s32 s3, s9;
	s6 =	sadd.s32 @!p0 $0x88, s6;
	s7 =	simm.s32 @p2 $0x1082  }
0x22: {  	[simem:s7], [sflag:s8] =	dma.local @!p0 [hbm:s6], $0xF7A  }
0x23: {  	s9 =	sor.u32 $0xD0000000, s2;
	s6 =	simm.s32 $0x108;
	_ =	swait.ge @!p0 [sflag:s8], $0x0  }
0x24: {  	s3 =	sadd.s32 $0x88, s3;
	s6 =	simm.s32 @!p1 $0x1082;
	[sflag:s4] =	ssyncset.s32 $0xFFFFF086  }
0x25: {  	[simem:s6], [sflag:s4] =	dma.local [hbm:s3], $0xF7A  }
0x26: {  	[smem:$0x3F9C] =	sst s1;
	(tag) =	ssettag s2;
	_ =	strace s9  }
0x27: {  	s1 =	sld [smem:$0x3FAC]  }
0x28: {  	s2 =	sld [smem:$0x3FAD]  }
0x29: {  	s4 =	sld [smem:$0x3FAF]  }
0x2a: {  	p0 =	seq.s32 s5, $0x0;
	s5 =	sld [smem:$0x3FB0]  }
0x2b: {  	s6 =	sld [smem:$0x3FB1]  }
0x2c: {  	s7 =	sld [smem:$0x3FB2]  }
0x2d: {  	s3 =	simm.s32 $0x108;
	s8 =	sld [smem:$0x3FB3]  }
0x2e: {  	s3 =	simm.s32 @!p0 $0x1082;
	s9 =	sld [smem:$0x3FB4]  }
0x2f: {  	lr =	sadd.s32 s0, s3;
	s0 =	sld [smem:$0x3FAB]  }
0x30: {  	s3 =	sld [smem:$0x3FAE]  }
0x31: {  	[smem:$0x3FB7] =	sst s10  }
0x32: {  	s10 =	sld [smem:$0x3FB5];
	_ =	sdelay $0x3  }
0x33: {  	p0 =	seq.s32 s10, $0x1;
	s10 =	sld [smem:$0x3FB7];
	_ =	sdelay $0x3  }
0x34: {  	[smem:$0x3FB7] =	sst s10  }
0x35: {  	s10 =	sld [smem:$0x3FB6];
	_ =	sdelay $0x3  }
0x36: {  	p1 =	seq.s32 s10, $0x1;
	s10 =	sld [smem:$0x3FB7];
	_ =	sdelay $0x3  }
0x37: {  	[smem:$0x3FB7] =	sst s10  }
0x38: {  	s10 =	sld [smem:$0x3FB8]  }
0x39: {  	_ = 	snop;
	(pc) =	sbr.ind lr, $3  }
0x3a: {  	_ = 	snop  }
0x3b: {  	_ = 	snop  }
0x3c: {  	p2 =	seq.s32 s10, $0x1;
	s10 =	sld [smem:$0x3FB7]  }
0x3d: {  	_ =	shalt  }
0x3e: {  	_ =	shalt  }
0x3f: {  	_ =	shalt  }
0x40: {  	_ =	shalt  }
0x41: {  	_ =	shalt  }
0x42: {  	_ =	shalt  }
0x43: {  	_ =	shalt  }
0x44: {  	_ =	shalt  }
0x45: {  	_ =	shalt  }
0x46: {  	_ =	shalt  }
0x47: {  	_ =	shalt  }
0x48: {  	_ =	shalt  }
0x49: {  	_ =	shalt  }
0x4a: {  	_ =	shalt  }
0x4b: {  	_ =	shalt  }
0x4c: {  	_ =	shalt  }
0x4d: {  	_ =	shalt  }
0x4e: {  	_ =	shalt  }
0x4f: {  	_ =	shalt  }
0x50: {  	_ =	shalt  }
0x51: {  	_ =	shalt  }
0x52: {  	_ =	shalt  }
0x53: {  	_ =	shalt  }
0x54: {  	_ =	shalt  }
0x55: {  	_ =	shalt  }
0x56: {  	_ =	shalt  }
0x57: {  	_ =	shalt  }
0x58: {  	_ =	shalt  }
0x59: {  	_ =	shalt  }
0x5a: {  	_ =	shalt  }
0x5b: {  	_ =	shalt  }
0x5c: {  	_ =	shalt  }
0x5d: {  	_ =	shalt  }
0x5e: {  	_ =	shalt  }
0x5f: {  	_ =	shalt  }
0x60: {  	_ =	shalt  }
0x61: {  	_ =	shalt  }
0x62: {  	_ =	shalt  }
0x63: {  	_ =	shalt  }
0x64: {  	_ =	shalt  }
0x65: {  	_ =	shalt  }
0x66: {  	_ =	shalt  }
0x67: {  	_ =	shalt  }
0x68: {  	_ =	shalt  }
0x69: {  	_ =	shalt  }
0x6a: {  	_ =	shalt  }
0x6b: {  	_ =	shalt  }
0x6c: {  	_ =	shalt  }
0x6d: {  	_ =	shalt  }
0x6e: {  	_ =	shalt  }
0x6f: {  	_ =	shalt  }
0x70: {  	_ =	shalt  }
0x71: {  	_ =	shalt  }
0x72: {  	_ =	shalt  }
0x73: {  	_ =	shalt  }
0x74: {  	_ =	shalt  }
0x75: {  	_ =	shalt  }
0x76: {  	_ =	shalt  }
0x77: {  	_ =	shalt  }
0x78: {  	_ =	shalt  }
0x79: {  	_ =	shalt  }
0x7a: {  	_ =	shalt  }
0x7b: {  	_ =	shalt  }
0x7c: {  	_ =	shalt  }
0x7d: {  	_ =	shalt  }
0x7e: {  	_ =	shalt  }
0x7f: {  	_ =	shalt  }
0x80: {  	_ =	shalt  }
0x81: {  	_ =	shalt  }
0x82: {  	_ =	shalt  }
0x83: {  	_ =	shalt  }
0x84: {  	_ =	shalt  }
0x85: {  	_ =	shalt  }
0x86: {  	_ =	shalt  }
0x87: {  	_ =	shalt  }
.Lfunc_end0:
.L_simem_size_0:
called_computation_lowered:
.L_overlay_start_0:
0x88: {  	s2 =	sld [smem:$0x3FD9]  }
0x89: {  	s3 =	sld [smem:$0x3FFE];
	_ =	sdelay $0x1  }
0x8a: {  	s1 =	srdreg.scid  }
0x8b: {  	s0 =	sand.u32 $0x1, s1  }
0x8c: {  	s17 =	sshll.u32 s0, $0xA;
	s2 =	sadd.s32 s3, s2  }
0x8d: {  	s2 =	sadd.s32 s2, s17  }
0x8e: {  	[smem:$0x3FC3] =	sst s2  }
0x8f: {  	_ = 	snop  }
0x90: {  	s2 =	sld [smem:$0x3FD0];
	(tm) =	ssettm $0x1  }
0x91: {  	s18 =	sld [smem:$0x3FFB];
	_ =	sdelay $0x3  }
0x92: {  	_ =	strace s18  }
0x93: {  	s3 =	sld [smem:$0x3FFC];
	_ =	sdelay $0x3  }
0x94: {  	_ =	strace s3  }
0x95: {  	s3 =	sld [smem:$0x3FFD];
	_ =	sdelay $0x3  }
0x96: {  	_ =	strace s3  }
0x97: {  	_ =	strace $0x8FFFFFFF  }
0x98: {  	s19 =	sld [smem:$0x3FDB];
	_ =	sdelay $0x1  }
0x99: {  	s4 =	simm.s32 $_scs_section_size  }
0x9a: {  	s5 =	simm.s32 $_size__tile_overlayer_lowered;
	s6 =	simm.s32 $_tile_overlayer_lowered  }
0x9b: {  	s22 =	simm.s32 $0x1BFF;
	s21 =	sshll.u32 s6, $0x1;
	s3 =	sadd.s32 s4, s19  }
0x9c: {  	s7 =	simm.s32 $0x0;
	s20 =	sshll.u32 s5, $0x1;
	s5 =	sadd.s32 s21, s3  }
0x9d: {  	[timem:s7], [sflag:s22] =	dma.local [hbm:s5], s20  }
0x9e: {  	_ =	swait.ge [sflag:s22], s20  }
0x9f: {  	s4 =	ssub.s32 $0x0, s20;
	[sflag:s22] =	ssyncset.done $0x0  }
0xa0: {  	[sflag:s22] =	ssyncadd.s32 s4;
	_ =	sdelay $0x1  }
0xa1: {  	s23 =	simm.s32 $0x1B8B  }
0xa2: {  	_ =	swait.ge [sflag:s23], $0x1  }
0xa3: {  	[sflag:s23] =	ssyncset.done $0x0  }
0xa4: {  	s25 =	simm.s32 $0x1B8E;
	s24 =	sld [smem:$0x3FFE];
	[sflag:s23] =	ssyncadd.s32 $0xFFFFFFFF  }
0xa5: {  	s26 =	simm.s32 $execute0_lowered;
	[smem:$0x3FD2] =	sst s25  }
0xa6: {  	s5 =	sshll.u32 s26, $0x1;
	_ =	strace $0x80000046;
	[dreg:$0x1] =	wrdreg $0xFFFFFFFF  }
0xa7: {  	s28 =	simm.s32 $_size_execute0_lowered;
	s3 =	sadd.s32 s3, s5;
	[dreg:$0x0] =	wrdreg $0x0  }
0xa8: {  	s5 =	sshll.u32 s28, $0x1;
	[dreg:$0x2] =	wrdreg s3  }
0xa9: {  	[dreg:$0x3] =	wrdreg s5  }
0xaa: {  	[dreg:$0x4] =	wrdreg $0xC0  }
0xab: {  	_ =	task [dreg:s7], $0x5FFFF  }
0xac: {  	[dreg:$0x1] =	wrdreg $0xFFFFFFFF  }
0xad: {  	[dreg:$0x0] =	wrdreg $0x60  }
0xae: {  	[dreg:$0x2] =	wrdreg s24  }
0xaf: {  	[dreg:$0x3] =	wrdreg s2  }
0xb0: {  	[dreg:$0x4] =	wrdreg $0x9  }
0xb1: {  	_ =	task.clear_ibuf [dreg:s7], $0x5FFFF;
	_ =	strace $0x90000046  }
0xb2: {  	s29 =	simm.s32 $0x9;
	_ =	strace $0x80000048  }
0xb3: {  	_ =	swait.ge [sflag:s29], $0x1  }
0xb4: {  	[sflag:s29] =	ssyncadd.s32 $0xFFFFFFFF  }
0xb5: {  	_ =	strace $0x90000048  }
0xb6: {  	_ =	sfence  }
0xb7: {  	s30 =	sld [smem:$0x0];
	_ =	sdelay $0x2  }
0xb8: {  	s31 =	sshll.u32 s1, $0xD;
	s1 =	sshrl.u32 s1, $0x2  }
0xb9: {  	s3 =	sand.u32 $0x4000, s31;
	s1 =	sadd.s32 s1, s30  }
0xba: {  	s0 =	sor.u32 s3, s0;
	s1 =	sshll.u32 s1, $0x11  }
0xbb: {  	s0 =	sor.u32 s1, s0  }
0xbc: {  	s0 =	sadd.s32 $0x8F2B, s0  }
0xbd: {  	[sflag:s0] =	ssyncadd.remote.s32 $0x1  }
0xbe: {  	_ =	sfence.sel $0xFFFF  }
0xbf: {  	[dreg:$0x0] =	wrdreg $0xFFFFFFFF;
	(pc) =	sbr.abs _section_cstart, $3  }
0xc0: {  	[dreg:$0x1] =	wrdreg $0xFFFFFFFF  }
0xc1: {  	_ =	task.clear_ibuf [dreg:s7], $0x2FFFF;
	_ =	strace $0x9FFFFFFF  }
0xc2: {  	(tm) =	ssettm $0x7FFFFFFF  }
0xc3: {  	_ =	shalt  }
tec
execute0_lowered:
.L_overlay_start_1:
0x0: {  	(tag) =	ssettag $0x1  }
0x1: {  	s1 =	srdreg.scid;
	s0 =	stileid.u32  }
0x2: {  	s5 =	rddreg [dreg:$0x0];
	s10 =	sand.u32 $0x1, s1;
	s29 =	sshll.u32 s0, $0x1  }
0x3: {  	s11 =	rddreg [dreg:$0x1];
	s12 =	sor.u32 s10, s29  }
0x4: {  	s2 =	simm.s32 $0x0;
	s1 =	rddreg [dreg:$0x2];
	s3 =	sshll.u32 s12, $0x5  }
0x5: {  	[smem:$0x7FF] =	sst s2;
	s3 =	sadd.s32 s3, s5  }
0x6: {  	_ =	strace $0x80000047;
	s4 =	sadd.s32 $0x1C00, s3;
	s3 =	simm.s32 $0x2  }
0x7: {  	[tilespmem:s2], [sflag:$0x2] =	stream.linear.gather [hbm4b:s4+s2], $0x100, $0x38;
	[tilespmem:$0x8100] =	vst v63  }
0x8: {  	_ =	swait.ge [sflag:s3], $0x100  }
0x9: {  	s6 =	simm.s32 $0x80;
	[sflag:s3] =	ssyncset.done $0x0  }
0xa: {  	s7 =	simm.s32 $0x100;
	s5 =	sadd.s32 $0x2000, s5;
	[sflag:s3] =	ssyncadd.s32 $0xFFFFFF00  }
0xb: {  	[tilespmem:s7], [sflag:$0x1] =	stream.indirect.gather [hbm4b:s5+s6], $0x80, s2, s6, $0xb8;
	[tilespmem:$0x8100] =	vst v63  }
0xc: {  	s8 =	simm.s32 $0x4100;
	s9 =	simm.s32 $0x1;
	s10 =	ssub.s32 $0x2, s10  }
0xd: {  	[tilespmem:s8], [sflag:$0x1] =	stream.indirect.gather [hbm4b:s5+s6], $0x80, s6, s6, $0xb8;
	[tilespmem:$0x8100] =	vst v63  }
0xe: {  	s13 =	sshrl.u32 s10, $0x1;
	_ =	swait.ge [sflag:s9], $0x4000  }
0xf: {  	s13 =	ssub.s32 s10, s13;
	[sflag:s9] =	ssyncset.done $0x0  }
0x10: {  	s31 =	smax.u32 s13, $0x1;
	[sflag:s9] =	ssyncadd.s32 $0xFFFFC000  }
0x11: {  	p0 =	sne.s32 s31, $0x1;
	_ =	swait.ge [sflag:s9], $0x4000  }
.Ltmp0:
0x12: {  	s30 =	sshll.u32 s12, $0xC;
	[sflag:s9] =	ssyncset.done $0x0;
	(pc) =	sbr.rel @!p0 .LBB2_2-.Ltmp0, $4  }
0x13: {  	s10 =	sadd.s32 s11, s30;
	[sflag:s9] =	ssyncadd.s32 $0xFFFFC000  }
0x14: {  	[hbm4b:s10+s2] =	stream.linear.scatter [tilespmem:s7], [sflag:$0x2], $0x8000, $0x38;
	[tilespmem:$0x8100] =	vst v63  }
0x15: {  	_ =	swait.ge [sflag:s3], $0x8000  }
0x16: {  	s11 =	sadd.s32 $0xFFFFFFFF, s31;
	[sflag:s3] =	ssyncset.done $0x0  }
.LBB2_1:
0x17: {  	p0 =	sne.s32 s11, $0x1;
	s11 =	sadd.s32 $0xFFFFFFFF, s11;
	[sflag:s3] =	ssyncadd.s32 $0xFFFF8000  }
0x18: {  	[tilespmem:s2], [sflag:$0x2] =	stream.linear.gather [hbm4b:s4+s2], $0x100, $0x38;
	[tilespmem:$0x8100] =	vst v63  }
0x19: {  	_ =	swait.ge [sflag:s3], $0x100  }
0x1a: {  	[sflag:s3] =	ssyncset.done $0x0  }
0x1b: {  	[sflag:s3] =	ssyncadd.s32 $0xFFFFFF00  }
0x1c: {  	[tilespmem:s7], [sflag:$0x1] =	stream.indirect.gather [hbm4b:s5+s6], $0x80, s2, s6, $0xb8;
	[tilespmem:$0x8100] =	vst v63  }
0x1d: {  	_ = 	snop  }
0x1e: {  	[tilespmem:s8], [sflag:$0x1] =	stream.indirect.gather [hbm4b:s5+s6], $0x80, s6, s6, $0xb8;
	[tilespmem:$0x8100] =	vst v63  }
0x1f: {  	_ =	swait.ge [sflag:s9], $0x4000  }
0x20: {  	[sflag:s9] =	ssyncset.done $0x0  }
0x21: {  	[sflag:s9] =	ssyncadd.s32 $0xFFFFC000  }
0x22: {  	_ =	swait.ge [sflag:s9], $0x4000  }
.Ltmp1:
0x23: {  	[sflag:s9] =	ssyncset.done $0x0;
	(pc) =	sbr.rel @p0 .LBB2_1-.Ltmp1, $4  }
0x24: {  	[sflag:s9] =	ssyncadd.s32 $0xFFFFC000  }
0x25: {  	[hbm4b:s10+s2] =	stream.linear.scatter [tilespmem:s7], [sflag:$0x2], $0x8000, $0x38;
	[tilespmem:$0x8100] =	vst v63  }
0x26: {  	_ =	swait.ge [sflag:s3], $0x8000  }
0x27: {  	[sflag:s3] =	ssyncset.done $0x0  }
.LBB2_2:
0x28: {  	[sflag:s3] =	ssyncadd.s32 $0xFFFF8000  }
0x29: {  	_ =	sfence.sel $0x180000  }
0x2a: {  	[bflag:$0x0] =	sbarrier.arrive $0xFFFF  }
0x2b: {  	p0 =	sne.s32 s0, $0x0;
	_ =	strace $0x90000047  }
0x2c: {  	s0 =	sadd.s32 @!p0 $0x100000, s1;
	[bflag:$0x2] =	sbarrier.arrive $0xFFFF  }
0x2d: {  	[sflag:s0] =	ssyncadd.tile.s32 @!p0 $0x1;
	_ =	shalt  }
.Lfunc_end2:
_tile_overlayer_lowered:
.L_overlay_start_2:
0x2e: {  	(tag) =	ssettag $0x2  }
0x2f: {  	s0 =	rddreg [dreg:$0x0];
	s2 =	stileid.u32  }
0x30: {  	s1 =	rddreg [dreg:$0x1];
	p0 =	sne.s32 s2, $0x0  }
0x31: {  	s3 =	rddreg [dreg:$0x2];
	[bflag:$0x3] =	sbarrier.arrive $0xFFFF;
	s2 =	simm.s32 @!p0 $0x1C02  }
0x32: {  	[timem:s3], [sflag:s2] =	dma.local @!p0 [hbm:s0], s1  }
0x33: {  	s0 =	simm.s32 @!p0 $0x2  }
0x34: {  	_ =	swait.ge @!p0 [sflag:s0], s1  }
0x35: {  	s1 =	ssub.s32 @!p0 $0x0, s1;
	[sflag:s0] =	ssyncset.done @!p0 $0x0  }
0x36: {  	[sflag:s0] =	ssyncadd.s32 @!p0 s1  }
0x37: {  	[bflag:$0x3] =	sbarrier.arrive $0xFFFF  }
0x38: {  	_ =	shalt  }

</sc_bundles>
